<compile_context>
chip_gen: v7x
topology: tpu7x:2x2x1
jax: 0.10.2.dev20260603
libtpu: 0.0.44.dev20260713+nightly
codegen_flags: <defaults>
</compile_context>

<pallas_src>
import functools

import jax
import jax.numpy as jnp
from jax import lax
from jax.experimental import pallas as pl
from jax.experimental.pallas import tpu as pltpu
from jax.experimental.pallas import tpu_sc as plsc

NC = 2
NS = 16
L = 16
NW = NC * NS

B = 16384
H = 200
VOCAB = 500
VPAD = 512
EMB = 10
EPAD = 16

RPW = B // NW
TPW = RPW * H
NVEC = TPW // L


def _prep_body(emb_ref, w_ref, bias_ref, out_ref):
    e = emb_ref[...]
    n2 = jnp.sum(e * e, axis=1, keepdims=True)
    norm = jnp.sqrt(n2)
    scale = jnp.minimum(1.0, 1.0 / jnp.maximum(norm, 1e-12))
    te = e * scale
    p = lax.dot_general(w_ref[...], te, (((1,), (1,)), ((), ())),
                        preferred_element_type=jnp.float32)
    out_ref[...] = p + bias_ref[...]


_prep = pl.pallas_call(
    _prep_body,
    out_shape=jax.ShapeDtypeStruct((2, VPAD), jnp.float32),
)


NPAIR = RPW // 2


def _sc_body(tok_hbm, lab_hbm, p_hbm, out_hbm, tok_v, lab_v, p_v, acc_v):
    wid = lax.axis_index("s") * NC + lax.axis_index("c")
    pltpu.sync_copy(p_hbm, p_v)
    pltpu.sync_copy(lab_hbm.at[pl.ds(wid * RPW, RPW)], lab_v)
    pltpu.sync_copy(tok_hbm.at[pl.ds(wid * TPW, TPW)], tok_v)

    zero16 = jnp.zeros((L,), jnp.int32)
    mask12 = lax.iota(jnp.int32, L) >= 8

    def body(p, accs):
        base = p * (2 * H)
        lab0 = plsc.load_gather(lab_v, [zero16 + 2 * p])
        lab1 = plsc.load_gather(lab_v, [zero16 + (2 * p + 1)])
        off0 = lab0 * VPAD
        off1 = lab1 * VPAD
        offm = jnp.where(mask12, off1, off0)
        a = list(accs)
        for j in range(25):
            tok = tok_v[pl.ds(base + j * L, L)]
            offv = off0 if j < 12 else (offm if j == 12 else off1)
            a[j % 4] = a[j % 4] + plsc.load_gather(p_v, [tok + offv])
        return tuple(a)

    z = jnp.zeros((L,), jnp.float32)
    a0, a1, a2, a3 = lax.fori_loop(0, NPAIR, body, (z, z, z, z))
    acc_v[...] = (a0 + a1) + (a2 + a3)
    pltpu.sync_copy(acc_v, out_hbm.at[pl.ds(wid * L, L)])


_gather_sum = functools.partial(
    pl.kernel,
    out_type=jax.ShapeDtypeStruct((NW * L,), jnp.float32),
    mesh=plsc.VectorSubcoreMesh(core_axis_name="c", subcore_axis_name="s"),
    compiler_params=pltpu.CompilerParams(needs_layout_passes=False),
    scratch_types=[
        pltpu.VMEM((TPW,), jnp.int32),
        pltpu.VMEM((RPW,), jnp.int32),
        pltpu.VMEM((2 * VPAD,), jnp.float32),
        pltpu.VMEM((L,), jnp.float32),
    ],
)(_sc_body)


def kernel(input, labels, emb_weight, lin_weight, lin_bias):
    tok = jnp.reshape(input.astype(jnp.int32), (B * H,))
    lab = labels.astype(jnp.int32)

    emb_pad = jnp.zeros((VPAD, EPAD), jnp.float32).at[:VOCAB, :EMB].set(
        emb_weight.astype(jnp.float32))
    w_pad = jnp.zeros((2, EPAD), jnp.float32).at[:, :EMB].set(
        lin_weight.astype(jnp.float32))
    bias2d = jnp.broadcast_to(
        (lin_bias.astype(jnp.float32) / H)[:, None], (2, VPAD))

    p_flat = jnp.reshape(_prep(emb_pad, w_pad, bias2d), (2 * VPAD,))
    partials = _gather_sum(tok, lab, p_flat)
    return -jnp.sum(partials) / B

# --- scband reference (transcript-rebuilt; emitter-appended) ---
"""Pipeline reference for scband-sample-model-11879879541315 (READ-ONLY COPY).

The authoritative reference and input builder live on the scoring server;
editing this copy changes nothing except your own understanding.
"""

import jax, jax.numpy as jnp
import numpy as np

VOCAB = 500
EMB_DIM = 10
N_CLASSES = 2
BATCH = 16384
HIST = 200


def setup_inputs(seed: int = 0) -> dict:
    key = jax.random.key(seed)
    k1, k2, k3, k4 = jax.random.split(key, 4)
    inp = jax.random.randint(k1, (BATCH, HIST), 0, VOCAB)
    labels = jax.random.randint(k2, (BATCH,), 0, N_CLASSES)
    emb_weight = jax.random.normal(k3, (VOCAB, EMB_DIM), dtype=jnp.float32)
    lin_weight = jax.random.normal(k4, (N_CLASSES, EMB_DIM), dtype=jnp.float32) * 0.1
    lin_bias = jnp.zeros((N_CLASSES,), dtype=jnp.float32)
    return {
        "input": inp,
        "labels": labels,
        "emb_weight": emb_weight,
        "lin_weight": lin_weight,
        "lin_bias": lin_bias,
    }


def reference(input, labels, emb_weight, lin_weight, lin_bias):
    # nn.Embedding(max_norm=1.0): rows with L2 norm > 1 are renormalized
    # (torch does this under no_grad, so the scale is a constant)
    norms = jnp.linalg.norm(emb_weight, axis=1, keepdims=True)
    scale = jnp.minimum(1.0, 1.0 / jnp.maximum(norms, 1e-12))
    scale = jax.lax.stop_gradient(scale)
    table = emb_weight * scale
    # embedding lookup (gather) + sum over history dim
    em_x = jnp.take(table, input, axis=0).sum(axis=1)  # [B, EMB_DIM]
    # linear layer
    out = em_x @ lin_weight.T + lin_bias  # [B, N_CLASSES]
    # nn.NLLLoss (mean reduction), applied directly to `out` as in the module
    picked = jnp.take_along_axis(out, labels[:, None], axis=1)[:, 0]
    loss = -jnp.mean(picked)
    return loss

if __name__ == "__main__":
    import jax
    _d = setup_inputs()
    print(jax.jit(kernel)(*tuple(_d.values())))

</pallas_src>

<mosaic_0001>
#map = affine_map<(d0, d1) -> (0)>
module attributes {stable_mosaic.version = 14 : i64} {
  func.func @_sc_body(%arg0: i32, %arg1: i32, %arg2: memref<3276800xi32, #tpu.memory_space<hbm>>, %arg3: memref<16384xi32, #tpu.memory_space<hbm>>, %arg4: memref<1024xf32, #tpu.memory_space<hbm>>, %arg5: memref<512xf32, #tpu.memory_space<hbm>>, %arg6: memref<102400xi32, #tpu.memory_space<vmem>>, %arg7: memref<512xi32, #tpu.memory_space<vmem>>, %arg8: memref<1024xf32, #tpu.memory_space<vmem>>, %arg9: memref<16xf32, #tpu.memory_space<vmem>>) attributes {dimension_semantics = [#tpu.dimension_semantics<core_parallel>, #tpu.dimension_semantics<subcore_parallel>], iteration_bounds = array<i64: 2, 16>, scalar_prefetch = 0 : i64, scratch_operands = 4 : i64, tpu.core_type = #tpu.core_type<sc_vector_subcore>, window_params = [{transform_indices = #map}, {transform_indices = #map}, {transform_indices = #map}, {transform_indices = #map}]} {
    %mul3A = arith.constant 2 : i32
    %mul3A_0 = arith.muli %arg1, %mul3A : i32
    %add3A = arith.addi %mul3A_0, %arg0 : i32
    "tpu.region"() ({
      %run_scoped3A = tpu.sem_alloc : memref<!tpu.dma_semaphore, #tpu.memory_space<semaphore_mem>>
      tpu.enqueue_dma source(%arg4 : memref<1024xf32, #tpu.memory_space<hbm>>) target(%arg8 : memref<1024xf32, #tpu.memory_space<vmem>>) target_semaphore(%run_scoped3A : memref<!tpu.dma_semaphore, #tpu.memory_space<semaphore_mem>>)
      tpu.wait_dma2 semaphore(%run_scoped3A : memref<!tpu.dma_semaphore, #tpu.memory_space<semaphore_mem>>) src(%arg4 : memref<1024xf32, #tpu.memory_space<hbm>>) dst(%arg8 : memref<1024xf32, #tpu.memory_space<vmem>>)
      tpu.yield
    }) : () -> ()
    %mul3A_1 = arith.constant 512 : i32
    %mul3A_2 = arith.muli %add3A, %mul3A_1 : i32
    "tpu.region"() ({
      %run_scoped3A = tpu.sem_alloc : memref<!tpu.dma_semaphore, #tpu.memory_space<semaphore_mem>>
      %dma_start3A = tpu.memref_slice %arg3[%mul3A_2] : memref<16384xi32, #tpu.memory_space<hbm>> -> memref<512xi32, #tpu.memory_space<hbm>>
      %dma_start3A_21 = tpu.memref_slice %arg3[%mul3A_2] : memref<16384xi32, #tpu.memory_space<hbm>> -> memref<512xi32, #tpu.memory_space<hbm>>
      tpu.enqueue_dma source(%dma_start3A_21 : memref<512xi32, #tpu.memory_space<hbm>>) target(%arg7 : memref<512xi32, #tpu.memory_space<vmem>>) target_semaphore(%run_scoped3A : memref<!tpu.dma_semaphore, #tpu.memory_space<semaphore_mem>>)
      %dma_wait3A = tpu.memref_slice %arg3[%mul3A_2] : memref<16384xi32, #tpu.memory_space<hbm>> -> memref<512xi32, #tpu.memory_space<hbm>>
      %dma_wait3A_22 = tpu.memref_slice %arg3[%mul3A_2] : memref<16384xi32, #tpu.memory_space<hbm>> -> memref<512xi32, #tpu.memory_space<hbm>>
      tpu.wait_dma2 semaphore(%run_scoped3A : memref<!tpu.dma_semaphore, #tpu.memory_space<semaphore_mem>>) src(%dma_wait3A_22 : memref<512xi32, #tpu.memory_space<hbm>>) dst(%arg7 : memref<512xi32, #tpu.memory_space<vmem>>)
      tpu.yield
    }) : () -> ()
    %mul3A_3 = arith.constant 102400 : i32
    %mul3A_4 = arith.muli %add3A, %mul3A_3 : i32
    "tpu.region"() ({
      %run_scoped3A = tpu.sem_alloc : memref<!tpu.dma_semaphore, #tpu.memory_space<semaphore_mem>>
      %dma_start3A = tpu.memref_slice %arg2[%mul3A_4] : memref<3276800xi32, #tpu.memory_space<hbm>> -> memref<102400xi32, #tpu.memory_space<hbm>>
      %dma_start3A_21 = tpu.memref_slice %arg2[%mul3A_4] : memref<3276800xi32, #tpu.memory_space<hbm>> -> memref<102400xi32, #tpu.memory_space<hbm>>
      tpu.enqueue_dma source(%dma_start3A_21 : memref<102400xi32, #tpu.memory_space<hbm>>) target(%arg6 : memref<102400xi32, #tpu.memory_space<vmem>>) target_semaphore(%run_scoped3A : memref<!tpu.dma_semaphore, #tpu.memory_space<semaphore_mem>>)
      %dma_wait3A = tpu.memref_slice %arg2[%mul3A_4] : memref<3276800xi32, #tpu.memory_space<hbm>> -> memref<102400xi32, #tpu.memory_space<hbm>>
      %dma_wait3A_22 = tpu.memref_slice %arg2[%mul3A_4] : memref<3276800xi32, #tpu.memory_space<hbm>> -> memref<102400xi32, #tpu.memory_space<hbm>>
      tpu.wait_dma2 semaphore(%run_scoped3A : memref<!tpu.dma_semaphore, #tpu.memory_space<semaphore_mem>>) src(%dma_wait3A_22 : memref<102400xi32, #tpu.memory_space<hbm>>) dst(%arg6 : memref<102400xi32, #tpu.memory_space<vmem>>)
      tpu.yield
    }) : () -> ()
    %broadcast_in_dim3A = arith.constant 0 : i32
    %broadcast_in_dim3A_5 = vector.broadcast %broadcast_in_dim3A : i32 to vector<16xi32>
    %iota3A = tpu.iota {dimensions = array<i32: 0>} : vector<16xi32>
    %ge3A = arith.constant 8 : i32
    %ge3A_6 = vector.broadcast %ge3A : i32 to vector<16xi32>
    %ge3A_7 = arith.cmpi sge, %iota3A, %ge3A_6 : vector<16xi32>
    %broadcast_in_dim3A_8 = arith.constant 0.000000e+00 : f32
    %broadcast_in_dim3A_9 = vector.broadcast %broadcast_in_dim3A_8 : f32 to vector<16xf32>
    %scan3A = arith.constant 0 : i32
    %scan3A_10 = arith.constant 256 : i32
    %scan3A_11 = arith.addi %scan3A, %scan3A_10 : i32
    %scan3A_12 = arith.constant 1 : i32
    %scan3A_13:4 = scf.for %scan3A_21 = %scan3A to %scan3A_11 step %scan3A_12 iter_args(%scan3A_22 = %broadcast_in_dim3A_9, %scan3A_23 = %broadcast_in_dim3A_9, %scan3A_24 = %broadcast_in_dim3A_9, %scan3A_25 = %broadcast_in_dim3A_9) -> (vector<16xf32>, vector<16xf32>, vector<16xf32>, vector<16xf32>)  : i32 {
      %mul3A_26 = arith.constant 400 : i32
      %mul3A_27 = arith.muli %scan3A_21, %mul3A_26 : i32
      %mul3A_28 = arith.constant 2 : i32
      %mul3A_29 = arith.muli %mul3A_28, %scan3A_21 : i32
      %add3A_30 = vector.broadcast %mul3A_29 : i32 to vector<16xi32>
      %add3A_31 = arith.addi %broadcast_in_dim3A_5, %add3A_30 : vector<16xi32>
      %gather3A = tpu.vector_load_idx %arg7[%add3A_31] : memref<512xi32, #tpu.memory_space<vmem>>[vector<16xi32>], vector<16xi32>,
      %mul3A_32 = arith.constant 2 : i32
      %mul3A_33 = arith.muli %mul3A_32, %scan3A_21 : i32
      %add3A_34 = arith.constant 1 : i32
      %add3A_35 = arith.addi %mul3A_33, %add3A_34 : i32
      %add3A_36 = vector.broadcast %add3A_35 : i32 to vector<16xi32>
      %add3A_37 = arith.addi %broadcast_in_dim3A_5, %add3A_36 : vector<16xi32>
      %gather3A_38 = tpu.vector_load_idx %arg7[%add3A_37] : memref<512xi32, #tpu.memory_space<vmem>>[vector<16xi32>], vector<16xi32>,
      %mul3A_39 = arith.constant 512 : i32
      %mul3A_40 = vector.broadcast %mul3A_39 : i32 to vector<16xi32>
      %mul3A_41 = arith.muli %gather3A, %mul3A_40 : vector<16xi32>
      %mul3A_42 = arith.constant 512 : i32
      %mul3A_43 = vector.broadcast %mul3A_42 : i32 to vector<16xi32>
      %mul3A_44 = arith.muli %gather3A_38, %mul3A_43 : vector<16xi32>
      %select_n3A = arith.select %ge3A_7, %mul3A_44, %mul3A_41 : vector<16xi1>, vector<16xi32>
      %add3A_45 = arith.constant 0 : i32
      %add3A_46 = arith.addi %mul3A_27, %add3A_45 : i32
      %get3A = arith.index_cast %add3A_46 : i32 to index
      %get3A_47 = tpu.vector_load %arg6[%get3A] {strides = array<i32>} : memref<102400xi32, #tpu.memory_space<vmem>>, vector<16xi32>,
      %add3A_48 = arith.addi %get3A_47, %mul3A_41 : vector<16xi32>
      %gather3A_49 = tpu.vector_load_idx %arg8[%add3A_48] : memref<1024xf32, #tpu.memory_space<vmem>>[vector<16xi32>], vector<16xf32>,
      %add3A_50 = arith.addf %scan3A_22, %gather3A_49 : vector<16xf32>
      %add3A_51 = arith.constant 16 : i32
      %add3A_52 = arith.addi %mul3A_27, %add3A_51 : i32
      %get3A_53 = arith.index_cast %add3A_52 : i32 to index
      %get3A_54 = tpu.vector_load %arg6[%get3A_53] {strides = array<i32>} : memref<102400xi32, #tpu.memory_space<vmem>>, vector<16xi32>,
      %add3A_55 = arith.addi %get3A_54, %mul3A_41 : vector<16xi32>
      %gather3A_56 = tpu.vector_load_idx %arg8[%add3A_55] : memref<1024xf32, #tpu.memory_space<vmem>>[vector<16xi32>], vector<16xf32>,
      %add3A_57 = arith.addf %scan3A_23, %gather3A_56 : vector<16xf32>
      %add3A_58 = arith.constant 32 : i32
      %add3A_59 = arith.addi %mul3A_27, %add3A_58 : i32
      %get3A_60 = arith.index_cast %add3A_59 : i32 to index
      %get3A_61 = tpu.vector_load %arg6[%get3A_60] {strides = array<i32>} : memref<102400xi32, #tpu.memory_space<vmem>>, vector<16xi32>,
      %add3A_62 = arith.addi %get3A_61, %mul3A_41 : vector<16xi32>
      %gather3A_63 = tpu.vector_load_idx %arg8[%add3A_62] : memref<1024xf32, #tpu.memory_space<vmem>>[vector<16xi32>], vector<16xf32>,
      %add3A_64 = arith.addf %scan3A_24, %gather3A_63 : vector<16xf32>
      %add3A_65 = arith.constant 48 : i32
      %add3A_66 = arith.addi %mul3A_27, %add3A_65 : i32
      %get3A_67 = arith.index_cast %add3A_66 : i32 to index
      %get3A_68 = tpu.vector_load %arg6[%get3A_67] {strides = array<i32>} : memref<102400xi32, #tpu.memory_space<vmem>>, vector<16xi32>,
      %add3A_69 = arith.addi %get3A_68, %mul3A_41 : vector<16xi32>
      %gather3A_70 = tpu.vector_load_idx %arg8[%add3A_69] : memref<1024xf32, #tpu.memory_space<vmem>>[vector<16xi32>], vector<16xf32>,
      %add3A_71 = arith.addf %scan3A_25, %gather3A_70 : vector<16xf32>
      %add3A_72 = arith.constant 64 : i32
      %add3A_73 = arith.addi %mul3A_27, %add3A_72 : i32
      %get3A_74 = arith.index_cast %add3A_73 : i32 to index
      %get3A_75 = tpu.vector_load %arg6[%get3A_74] {strides = array<i32>} : memref<102400xi32, #tpu.memory_space<vmem>>, vector<16xi32>,
      %add3A_76 = arith.addi %get3A_75, %mul3A_41 : vector<16xi32>
      %gather3A_77 = tpu.vector_load_idx %arg8[%add3A_76] : memref<1024xf32, #tpu.memory_space<vmem>>[vector<16xi32>], vector<16xf32>,
      %add3A_78 = arith.addf %add3A_50, %gather3A_77 : vector<16xf32>
      %add3A_79 = arith.constant 80 : i32
      %add3A_80 = arith.addi %mul3A_27, %add3A_79 : i32
      %get3A_81 = arith.index_cast %add3A_80 : i32 to index
      %get3A_82 = tpu.vector_load %arg6[%get3A_81] {strides = array<i32>} : memref<102400xi32, #tpu.memory_space<vmem>>, vector<16xi32>,
      %add3A_83 = arith.addi %get3A_82, %mul3A_41 : vector<16xi32>
      %gather3A_84 = tpu.vector_load_idx %arg8[%add3A_83] : memref<1024xf32, #tpu.memory_space<vmem>>[vector<16xi32>], vector<16xf32>,
      %add3A_85 = arith.addf %add3A_57, %gather3A_84 : vector<16xf32>
      %add3A_86 = arith.constant 96 : i32
      %add3A_87 = arith.addi %mul3A_27, %add3A_86 : i32
      %get3A_88 = arith.index_cast %add3A_87 : i32 to index
      %get3A_89 = tpu.vector_load %arg6[%get3A_88] {strides = array<i32>} : memref<102400xi32, #tpu.memory_space<vmem>>, vector<16xi32>,
      %add3A_90 = arith.addi %get3A_89, %mul3A_41 : vector<16xi32>
      %gather3A_91 = tpu.vector_load_idx %arg8[%add3A_90] : memref<1024xf32, #tpu.memory_space<vmem>>[vector<16xi32>], vector<16xf32>,
      %add3A_92 = arith.addf %add3A_64, %gather3A_91 : vector<16xf32>
      %add3A_93 = arith.constant 112 : i32
      %add3A_94 = arith.addi %mul3A_27, %add3A_93 : i32
      %get3A_95 = arith.index_cast %add3A_94 : i32 to index
      %get3A_96 = tpu.vector_load %arg6[%get3A_95] {strides = array<i32>} : memref<102400xi32, #tpu.memory_space<vmem>>, vector<16xi32>,
      %add3A_97 = arith.addi %get3A_96, %mul3A_41 : vector<16xi32>
      %gather3A_98 = tpu.vector_load_idx %arg8[%add3A_97] : memref<1024xf32, #tpu.memory_space<vmem>>[vector<16xi32>], vector<16xf32>,
      %add3A_99 = arith.addf %add3A_71, %gather3A_98 : vector<16xf32>
      %add3A_100 = arith.constant 128 : i32
      %add3A_101 = arith.addi %mul3A_27, %add3A_100 : i32
      %get3A_102 = arith.index_cast %add3A_101 : i32 to index
      %get3A_103 = tpu.vector_load %arg6[%get3A_102] {strides = array<i32>} : memref<102400xi32, #tpu.memory_space<vmem>>, vector<16xi32>,
      %add3A_104 = arith.addi %get3A_103, %mul3A_41 : vector<16xi32>
      %gather3A_105 = tpu.vector_load_idx %arg8[%add3A_104] : memref<1024xf32, #tpu.memory_space<vmem>>[vector<16xi32>], vector<16xf32>,
      %add3A_106 = arith.addf %add3A_78, %gather3A_105 : vector<16xf32>
      %add3A_107 = arith.constant 144 : i32
      %add3A_108 = arith.addi %mul3A_27, %add3A_107 : i32
      %get3A_109 = arith.index_cast %add3A_108 : i32 to index
      %get3A_110 = tpu.vector_load %arg6[%get3A_109] {strides = array<i32>} : memref<102400xi32, #tpu.memory_space<vmem>>, vector<16xi32>,
      %add3A_111 = arith.addi %get3A_110, %mul3A_41 : vector<16xi32>
      %gather3A_112 = tpu.vector_load_idx %arg8[%add3A_111] : memref<1024xf32, #tpu.memory_space<vmem>>[vector<16xi32>], vector<16xf32>,
      %add3A_113 = arith.addf %add3A_85, %gather3A_112 : vector<16xf32>
      %add3A_114 = arith.constant 160 : i32
      %add3A_115 = arith.addi %mul3A_27, %add3A_114 : i32
      %get3A_116 = arith.index_cast %add3A_115 : i32 to index
      %get3A_117 = tpu.vector_load %arg6[%get3A_116] {strides = array<i32>} : memref<102400xi32, #tpu.memory_space<vmem>>, vector<16xi32>,
      %add3A_118 = arith.addi %get3A_117, %mul3A_41 : vector<16xi32>
      %gather3A_119 = tpu.vector_load_idx %arg8[%add3A_118] : memref<1024xf32, #tpu.memory_space<vmem>>[vector<16xi32>], vector<16xf32>,
      %add3A_120 = arith.addf %add3A_92, %gather3A_119 : vector<16xf32>
      %add3A_121 = arith.constant 176 : i32
      %add3A_122 = arith.addi %mul3A_27, %add3A_121 : i32
      %get3A_123 = arith.index_cast %add3A_122 : i32 to index
      %get3A_124 = tpu.vector_load %arg6[%get3A_123] {strides = array<i32>} : memref<102400xi32, #tpu.memory_space<vmem>>, vector<16xi32>,
      %add3A_125 = arith.addi %get3A_124, %mul3A_41 : vector<16xi32>
      %gather3A_126 = tpu.vector_load_idx %arg8[%add3A_125] : memref<1024xf32, #tpu.memory_space<vmem>>[vector<16xi32>], vector<16xf32>,
      %add3A_127 = arith.addf %add3A_99, %gather3A_126 : vector<16xf32>
      %add3A_128 = arith.constant 192 : i32
      %add3A_129 = arith.addi %mul3A_27, %add3A_128 : i32
      %get3A_130 = arith.index_cast %add3A_129 : i32 to index
      %get3A_131 = tpu.vector_load %arg6[%get3A_130] {strides = array<i32>} : memref<102400xi32, #tpu.memory_space<vmem>>, vector<16xi32>,
      %add3A_132 = arith.addi %get3A_131, %select_n3A : vector<16xi32>
      %gather3A_133 = tpu.vector_load_idx %arg8[%add3A_132] : memref<1024xf32, #tpu.memory_space<vmem>>[vector<16xi32>], vector<16xf32>,
      %add3A_134 = arith.addf %add3A_106, %gather3A_133 : vector<16xf32>
      %add3A_135 = arith.constant 208 : i32
      %add3A_136 = arith.addi %mul3A_27, %add3A_135 : i32
      %get3A_137 = arith.index_cast %add3A_136 : i32 to index
      %get3A_138 = tpu.vector_load %arg6[%get3A_137] {strides = array<i32>} : memref<102400xi32, #tpu.memory_space<vmem>>, vector<16xi32>,
      %add3A_139 = arith.addi %get3A_138, %mul3A_44 : vector<16xi32>
      %gather3A_140 = tpu.vector_load_idx %arg8[%add3A_139] : memref<1024xf32, #tpu.memory_space<vmem>>[vector<16xi32>], vector<16xf32>,
      %add3A_141 = arith.addf %add3A_113, %gather3A_140 : vector<16xf32>
      %add3A_142 = arith.constant 224 : i32
      %add3A_143 = arith.addi %mul3A_27, %add3A_142 : i32
      %get3A_144 = arith.index_cast %add3A_143 : i32 to index
      %get3A_145 = tpu.vector_load %arg6[%get3A_144] {strides = array<i32>} : memref<102400xi32, #tpu.memory_space<vmem>>, vector<16xi32>,
      %add3A_146 = arith.addi %get3A_145, %mul3A_44 : vector<16xi32>
      %gather3A_147 = tpu.vector_load_idx %arg8[%add3A_146] : memref<1024xf32, #tpu.memory_space<vmem>>[vector<16xi32>], vector<16xf32>,
      %add3A_148 = arith.addf %add3A_120, %gather3A_147 : vector<16xf32>
      %add3A_149 = arith.constant 240 : i32
      %add3A_150 = arith.addi %mul3A_27, %add3A_149 : i32
      %get3A_151 = arith.index_cast %add3A_150 : i32 to index
      %get3A_152 = tpu.vector_load %arg6[%get3A_151] {strides = array<i32>} : memref<102400xi32, #tpu.memory_space<vmem>>, vector<16xi32>,
      %add3A_153 = arith.addi %get3A_152, %mul3A_44 : vector<16xi32>
      %gather3A_154 = tpu.vector_load_idx %arg8[%add3A_153] : memref<1024xf32, #tpu.memory_space<vmem>>[vector<16xi32>], vector<16xf32>,
      %add3A_155 = arith.addf %add3A_127, %gather3A_154 : vector<16xf32>
      %add3A_156 = arith.constant 256 : i32
      %add3A_157 = arith.addi %mul3A_27, %add3A_156 : i32
      %get3A_158 = arith.index_cast %add3A_157 : i32 to index
      %get3A_159 = tpu.vector_load %arg6[%get3A_158] {strides = array<i32>} : memref<102400xi32, #tpu.memory_space<vmem>>, vector<16xi32>,
      %add3A_160 = arith.addi %get3A_159, %mul3A_44 : vector<16xi32>
      %gather3A_161 = tpu.vector_load_idx %arg8[%add3A_160] : memref<1024xf32, #tpu.memory_space<vmem>>[vector<16xi32>], vector<16xf32>,
      %add3A_162 = arith.addf %add3A_134, %gather3A_161 : vector<16xf32>
      %add3A_163 = arith.constant 272 : i32
      %add3A_164 = arith.addi %mul3A_27, %add3A_163 : i32
      %get3A_165 = arith.index_cast %add3A_164 : i32 to index
      %get3A_166 = tpu.vector_load %arg6[%get3A_165] {strides = array<i32>} : memref<102400xi32, #tpu.memory_space<vmem>>, vector<16xi32>,
      %add3A_167 = arith.addi %get3A_166, %mul3A_44 : vector<16xi32>
      %gather3A_168 = tpu.vector_load_idx %arg8[%add3A_167] : memref<1024xf32, #tpu.memory_space<vmem>>[vector<16xi32>], vector<16xf32>,
      %add3A_169 = arith.addf %add3A_141, %gather3A_168 : vector<16xf32>
      %add3A_170 = arith.constant 288 : i32
      %add3A_171 = arith.addi %mul3A_27, %add3A_170 : i32
      %get3A_172 = arith.index_cast %add3A_171 : i32 to index
      %get3A_173 = tpu.vector_load %arg6[%get3A_172] {strides = array<i32>} : memref<102400xi32, #tpu.memory_space<vmem>>, vector<16xi32>,
      %add3A_174 = arith.addi %get3A_173, %mul3A_44 : vector<16xi32>
      %gather3A_175 = tpu.vector_load_idx %arg8[%add3A_174] : memref<1024xf32, #tpu.memory_space<vmem>>[vector<16xi32>], vector<16xf32>,
      %add3A_176 = arith.addf %add3A_148, %gather3A_175 : vector<16xf32>
      %add3A_177 = arith.constant 304 : i32
      %add3A_178 = arith.addi %mul3A_27, %add3A_177 : i32
      %get3A_179 = arith.index_cast %add3A_178 : i32 to index
      %get3A_180 = tpu.vector_load %arg6[%get3A_179] {strides = array<i32>} : memref<102400xi32, #tpu.memory_space<vmem>>, vector<16xi32>,
      %add3A_181 = arith.addi %get3A_180, %mul3A_44 : vector<16xi32>
      %gather3A_182 = tpu.vector_load_idx %arg8[%add3A_181] : memref<1024xf32, #tpu.memory_space<vmem>>[vector<16xi32>], vector<16xf32>,
      %add3A_183 = arith.addf %add3A_155, %gather3A_182 : vector<16xf32>
      %add3A_184 = arith.constant 320 : i32
      %add3A_185 = arith.addi %mul3A_27, %add3A_184 : i32
      %get3A_186 = arith.index_cast %add3A_185 : i32 to index
      %get3A_187 = tpu.vector_load %arg6[%get3A_186] {strides = array<i32>} : memref<102400xi32, #tpu.memory_space<vmem>>, vector<16xi32>,
      %add3A_188 = arith.addi %get3A_187, %mul3A_44 : vector<16xi32>
      %gather3A_189 = tpu.vector_load_idx %arg8[%add3A_188] : memref<1024xf32, #tpu.memory_space<vmem>>[vector<16xi32>], vector<16xf32>,
      %add3A_190 = arith.addf %add3A_162, %gather3A_189 : vector<16xf32>
      %add3A_191 = arith.constant 336 : i32
      %add3A_192 = arith.addi %mul3A_27, %add3A_191 : i32
      %get3A_193 = arith.index_cast %add3A_192 : i32 to index
      %get3A_194 = tpu.vector_load %arg6[%get3A_193] {strides = array<i32>} : memref<102400xi32, #tpu.memory_space<vmem>>, vector<16xi32>,
      %add3A_195 = arith.addi %get3A_194, %mul3A_44 : vector<16xi32>
      %gather3A_196 = tpu.vector_load_idx %arg8[%add3A_195] : memref<1024xf32, #tpu.memory_space<vmem>>[vector<16xi32>], vector<16xf32>,
      %add3A_197 = arith.addf %add3A_169, %gather3A_196 : vector<16xf32>
      %add3A_198 = arith.constant 352 : i32
      %add3A_199 = arith.addi %mul3A_27, %add3A_198 : i32
      %get3A_200 = arith.index_cast %add3A_199 : i32 to index
      %get3A_201 = tpu.vector_load %arg6[%get3A_200] {strides = array<i32>} : memref<102400xi32, #tpu.memory_space<vmem>>, vector<16xi32>,
      %add3A_202 = arith.addi %get3A_201, %mul3A_44 : vector<16xi32>
      %gather3A_203 = tpu.vector_load_idx %arg8[%add3A_202] : memref<1024xf32, #tpu.memory_space<vmem>>[vector<16xi32>], vector<16xf32>,
      %add3A_204 = arith.addf %add3A_176, %gather3A_203 : vector<16xf32>
      %add3A_205 = arith.constant 368 : i32
      %add3A_206 = arith.addi %mul3A_27, %add3A_205 : i32
      %get3A_207 = arith.index_cast %add3A_206 : i32 to index
      %get3A_208 = tpu.vector_load %arg6[%get3A_207] {strides = array<i32>} : memref<102400xi32, #tpu.memory_space<vmem>>, vector<16xi32>,
      %add3A_209 = arith.addi %get3A_208, %mul3A_44 : vector<16xi32>
      %gather3A_210 = tpu.vector_load_idx %arg8[%add3A_209] : memref<1024xf32, #tpu.memory_space<vmem>>[vector<16xi32>], vector<16xf32>,
      %add3A_211 = arith.addf %add3A_183, %gather3A_210 : vector<16xf32>
      %add3A_212 = arith.constant 384 : i32
      %add3A_213 = arith.addi %mul3A_27, %add3A_212 : i32
      %get3A_214 = arith.index_cast %add3A_213 : i32 to index
      %get3A_215 = tpu.vector_load %arg6[%get3A_214] {strides = array<i32>} : memref<102400xi32, #tpu.memory_space<vmem>>, vector<16xi32>,
      %add3A_216 = arith.addi %get3A_215, %mul3A_44 : vector<16xi32>
      %gather3A_217 = tpu.vector_load_idx %arg8[%add3A_216] : memref<1024xf32, #tpu.memory_space<vmem>>[vector<16xi32>], vector<16xf32>,
      %add3A_218 = arith.addf %add3A_190, %gather3A_217 : vector<16xf32>
      scf.yield %add3A_218, %add3A_197, %add3A_204, %add3A_211 : vector<16xf32>, vector<16xf32>, vector<16xf32>, vector<16xf32>
    }
    %scan3A_14 = arith.constant 256 : i32
    %add3A_15 = arith.addf %scan3A_13#0, %scan3A_13#1 : vector<16xf32>
    %add3A_16 = arith.addf %scan3A_13#2, %scan3A_13#3 : vector<16xf32>
    %add3A_17 = arith.addf %add3A_15, %add3A_16 : vector<16xf32>
    %swap3A = arith.constant 0 : index
    %swap3A_18 = tpu.vector_load %arg9[%swap3A] {strides = array<i32>} : memref<16xf32, #tpu.memory_space<vmem>>, vector<16xf32>,
    tpu.vector_store %arg9[%swap3A], %add3A_17 {strides = array<i32>} : memref<16xf32, #tpu.memory_space<vmem>>, vector<16xf32>,
    %mul3A_19 = arith.constant 16 : i32
    %mul3A_20 = arith.muli %add3A, %mul3A_19 : i32
    "tpu.region"() ({
      %run_scoped3A = tpu.sem_alloc : memref<!tpu.dma_semaphore, #tpu.memory_space<semaphore_mem>>
      %dma_start3A = tpu.memref_slice %arg5[%mul3A_20] : memref<512xf32, #tpu.memory_space<hbm>> -> memref<16xf32, #tpu.memory_space<hbm>>
      %dma_start3A_21 = tpu.memref_slice %arg5[%mul3A_20] : memref<512xf32, #tpu.memory_space<hbm>> -> memref<16xf32, #tpu.memory_space<hbm>>
      tpu.enqueue_dma source(%arg9 : memref<16xf32, #tpu.memory_space<vmem>>) target(%dma_start3A_21 : memref<16xf32, #tpu.memory_space<hbm>>) target_semaphore(%run_scoped3A : memref<!tpu.dma_semaphore, #tpu.memory_space<semaphore_mem>>)
      %dma_wait3A = tpu.memref_slice %arg5[%mul3A_20] : memref<512xf32, #tpu.memory_space<hbm>> -> memref<16xf32, #tpu.memory_space<hbm>>
      %dma_wait3A_22 = tpu.memref_slice %arg5[%mul3A_20] : memref<512xf32, #tpu.memory_space<hbm>> -> memref<16xf32, #tpu.memory_space<hbm>>
      tpu.wait_dma2 semaphore(%run_scoped3A : memref<!tpu.dma_semaphore, #tpu.memory_space<semaphore_mem>>) src(%arg9 : memref<16xf32, #tpu.memory_space<vmem>>) dst(%dma_wait3A_22 : memref<16xf32, #tpu.memory_space<hbm>>)
      tpu.yield
    }) : () -> ()
    return
  }
}

module attributes {stable_mosaic.version = 14 : i64} {
  func.func @_prep_body(%arg0: memref<512x16xf32, #tpu.memory_space<vmem>>, %arg1: memref<2x16xf32, #tpu.memory_space<vmem>>, %arg2: memref<2x512xf32, #tpu.memory_space<vmem>>, %arg3: memref<2x512xf32, #tpu.memory_space<vmem>>) attributes {dimension_semantics = [], scalar_prefetch = 0 : i64, scratch_operands = 0 : i64, tpu.core_type = #tpu.core_type<tc>} {
    %get3A = arith.constant 0 : index
    %get3A_0 = arith.constant 0 : index
    %get3A_1 = vector.load %arg0[%get3A, %get3A_0] : memref<512x16xf32, #tpu.memory_space<vmem>>, vector<512x16xf32>
    %mul3A = arith.mulf %get3A_1, %get3A_1 : vector<512x16xf32>
    %reduce_sum3A = arith.constant dense<0.000000e+00> : vector<512xf32>
    %reduce_sum3A_2 = vector.multi_reduction <add>, %mul3A, %reduce_sum3A [1] : vector<512x16xf32> to vector<512xf32>
    %broadcast_in_dim3A = vector.shape_cast %reduce_sum3A_2 : vector<512xf32> to vector<512x1xf32>
    %sqrt3A = math.sqrt %broadcast_in_dim3A : vector<512x1xf32>
    %max3A = arith.constant 9.99999996E-13 : f32
    %max3A_3 = vector.broadcast %max3A : f32 to vector<512x1xf32>
    %max3A_4 = arith.maximumf %sqrt3A, %max3A_3 : vector<512x1xf32>
    %div3A = arith.constant 1.000000e+00 : f32
    %div3A_5 = vector.broadcast %div3A : f32 to vector<512x1xf32>
    %div3A_6 = arith.divf %div3A_5, %max3A_4 : vector<512x1xf32>
    %min3A = arith.constant 1.000000e+00 : f32
    %min3A_7 = vector.broadcast %min3A : f32 to vector<512x1xf32>
    %min3A_8 = arith.minimumf %min3A_7, %div3A_6 : vector<512x1xf32>
    %mul3A_9 = vector.broadcast %min3A_8 : vector<512x1xf32> to vector<512x16xf32>
    %mul3A_10 = arith.mulf %get3A_1, %mul3A_9 : vector<512x16xf32>
    %get3A_11 = arith.constant 0 : index
    %get3A_12 = arith.constant 0 : index
    %get3A_13 = vector.load %arg1[%get3A_11, %get3A_12] : memref<2x16xf32, #tpu.memory_space<vmem>>, vector<2x16xf32>
    %dot_general3A = arith.constant dense<0.000000e+00> : vector<2x512xf32>
    %dot_general3A_14 = tpu.matmul %get3A_13, %mul3A_10, %dot_general3A {dimension_numbers = #tpu.dot_dimension_numbers<[1], [1], [0], [0], [0, 0, 1, 0], [], []>, transpose_lhs_hint = false} : vector<2x16xf32>, vector<512x16xf32>, vector<2x512xf32> -> vector<2x512xf32>
    %get3A_15 = arith.constant 0 : index
    %get3A_16 = arith.constant 0 : index
    %get3A_17 = vector.load %arg2[%get3A_15, %get3A_16] : memref<2x512xf32, #tpu.memory_space<vmem>>, vector<2x512xf32>
    %add3A = arith.addf %dot_general3A_14, %get3A_17 : vector<2x512xf32>
    %swap3A = arith.constant 0 : index
    %swap3A_18 = arith.constant 0 : index
    %swap3A_19 = vector.load %arg3[%swap3A, %swap3A_18] : memref<2x512xf32, #tpu.memory_space<vmem>>, vector<2x512xf32>
    tpu.vector_store %arg3[%swap3A, %swap3A_18], %add3A {strides = array<i32>} : memref<2x512xf32, #tpu.memory_space<vmem>>, vector<2x512xf32>,
    return
  }
}

</mosaic_0001>

<sc_bundles>
// kernel: kernel.4.cloned.1.call-start
scs
__scs_entry_jumppad:
0x0: {  	(pc) =	sbr.rel $0x88, $3  }
0x1: {  	(tag) =	ssettag $0x0;
	lr =	simm.s32 $0x1  }
0x2: {  	[smem:$0x3F9C] =	sst lr;
	_ =	strace $0xD0000000  }
0x3: {  	_ = 	snop  }
0x4: {  	_ = 	snop  }
0x5: {  	_ = 	snop  }
0x6: {  	_ = 	snop  }
0x7: {  	_ = 	snop  }
__scs_overlays_trampoline_lowered:
0x8: {  	[smem:$0x3FAB] =	sst s0  }
0x9: {  	[smem:$0x3FAC] =	sst s1  }
0xa: {  	[smem:$0x3FAD] =	sst s2  }
0xb: {  	[smem:$0x3FAE] =	sst s3  }
0xc: {  	[smem:$0x3FAF] =	sst s4  }
0xd: {  	[smem:$0x3FB0] =	sst s5  }
0xe: {  	[smem:$0x3FB1] =	sst s6  }
0xf: {  	[smem:$0x3FB2] =	sst s7  }
0x10: {  	[smem:$0x3FB3] =	sst s8  }
0x11: {  	[smem:$0x3FB4] =	sst s9;
	s0 =	simm.s32 @!p0 $0x0  }
0x12: {  	s1 =	sld [smem:$0x3F9A];
	s0 =	simm.s32 @p0 $0x1  }
0x13: {  	[smem:$0x3FB5] =	sst s0;
	s0 =	simm.s32 @!p1 $0x0  }
0x14: {  	s2 =	sld [smem:$0x3F99];
	s0 =	simm.s32 @p1 $0x1  }
0x15: {  	[smem:$0x3FB6] =	sst s0;
	s0 =	simm.s32 @!p2 $0x0  }
0x16: {  	s3 =	sld [smem:$0x3FDB];
	s0 =	simm.s32 @p2 $0x1  }
0x17: {  	s4 =	simm.s32 $0x1BF5;
	[smem:$0x3FB8] =	sst s0  }
0x18: {  	s0 =	sld [smem:$0x3F9B];
	_ =	swait.ge [sflag:s4], $0x0  }
0x19: {  	s7 =	sld [smem:$0x3F9C]  }
0x1a: {  	s8 =	sadd.s32 $0xFFFFE003, lr  }
0x1b: {  	s9 =	sadd.s32 $0xFFFFFEF7, lr;
	s5 =	simm.s32 $0xFFFFFFFF;
	p2 =	slt.u32 s8, $0xFFFFF086  }
0x1c: {  	p1 =	slt.u32 s9, $0xF7A;
	s5 =	simm.s32 @!p2 $0x0  }
0x1d: {  	s5 =	simm.s32 @p1 $0x1;
	p0 =	seq.s32 s7, s2  }
0x1e: {  	s7 =	smul.u32 @!p0 $0xF7A, s2;
	p2 =	seq.s32 @!p0 s5, $0x0  }
0x1f: {  	s9 =	smul.u32 $0xF7A, s1;
	s8 =	simm.s32 @!p0 $0x1BF5;
	p2 =	por !p2, p0  }
0x20: {  	[sflag:s8] =	ssyncset.s32 @!p0 $0xFFFFF086;
	s6 =	sadd.s32 @!p0 s3, s7;
	s7 =	simm.s32 @!p0 $0x108  }
0x21: {  	s3 =	sadd.s32 s3, s9;
	s6 =	sadd.s32 @!p0 $0x88, s6;
	s7 =	simm.s32 @p2 $0x1082  }
0x22: {  	[simem:s7], [sflag:s8] =	dma.local @!p0 [hbm:s6], $0xF7A  }
0x23: {  	s9 =	sor.u32 $0xD0000000, s2;
	s6 =	simm.s32 $0x108;
	_ =	swait.ge @!p0 [sflag:s8], $0x0  }
0x24: {  	s3 =	sadd.s32 $0x88, s3;
	s6 =	simm.s32 @!p1 $0x1082;
	[sflag:s4] =	ssyncset.s32 $0xFFFFF086  }
0x25: {  	[simem:s6], [sflag:s4] =	dma.local [hbm:s3], $0xF7A  }
0x26: {  	[smem:$0x3F9C] =	sst s1;
	(tag) =	ssettag s2;
	_ =	strace s9  }
0x27: {  	s1 =	sld [smem:$0x3FAC]  }
0x28: {  	s2 =	sld [smem:$0x3FAD]  }
0x29: {  	s4 =	sld [smem:$0x3FAF]  }
0x2a: {  	p0 =	seq.s32 s5, $0x0;
	s5 =	sld [smem:$0x3FB0]  }
0x2b: {  	s6 =	sld [smem:$0x3FB1]  }
0x2c: {  	s7 =	sld [smem:$0x3FB2]  }
0x2d: {  	s3 =	simm.s32 $0x108;
	s8 =	sld [smem:$0x3FB3]  }
0x2e: {  	s3 =	simm.s32 @!p0 $0x1082;
	s9 =	sld [smem:$0x3FB4]  }
0x2f: {  	lr =	sadd.s32 s0, s3;
	s0 =	sld [smem:$0x3FAB]  }
0x30: {  	s3 =	sld [smem:$0x3FAE]  }
0x31: {  	[smem:$0x3FB7] =	sst s10  }
0x32: {  	s10 =	sld [smem:$0x3FB5];
	_ =	sdelay $0x3  }
0x33: {  	p0 =	seq.s32 s10, $0x1;
	s10 =	sld [smem:$0x3FB7];
	_ =	sdelay $0x3  }
0x34: {  	[smem:$0x3FB7] =	sst s10  }
0x35: {  	s10 =	sld [smem:$0x3FB6];
	_ =	sdelay $0x3  }
0x36: {  	p1 =	seq.s32 s10, $0x1;
	s10 =	sld [smem:$0x3FB7];
	_ =	sdelay $0x3  }
0x37: {  	[smem:$0x3FB7] =	sst s10  }
0x38: {  	s10 =	sld [smem:$0x3FB8]  }
0x39: {  	_ = 	snop;
	(pc) =	sbr.ind lr, $3  }
0x3a: {  	_ = 	snop  }
0x3b: {  	_ = 	snop  }
0x3c: {  	p2 =	seq.s32 s10, $0x1;
	s10 =	sld [smem:$0x3FB7]  }
0x3d: {  	_ =	shalt  }
0x3e: {  	_ =	shalt  }
0x3f: {  	_ =	shalt  }
0x40: {  	_ =	shalt  }
0x41: {  	_ =	shalt  }
0x42: {  	_ =	shalt  }
0x43: {  	_ =	shalt  }
0x44: {  	_ =	shalt  }
0x45: {  	_ =	shalt  }
0x46: {  	_ =	shalt  }
0x47: {  	_ =	shalt  }
0x48: {  	_ =	shalt  }
0x49: {  	_ =	shalt  }
0x4a: {  	_ =	shalt  }
0x4b: {  	_ =	shalt  }
0x4c: {  	_ =	shalt  }
0x4d: {  	_ =	shalt  }
0x4e: {  	_ =	shalt  }
0x4f: {  	_ =	shalt  }
0x50: {  	_ =	shalt  }
0x51: {  	_ =	shalt  }
0x52: {  	_ =	shalt  }
0x53: {  	_ =	shalt  }
0x54: {  	_ =	shalt  }
0x55: {  	_ =	shalt  }
0x56: {  	_ =	shalt  }
0x57: {  	_ =	shalt  }
0x58: {  	_ =	shalt  }
0x59: {  	_ =	shalt  }
0x5a: {  	_ =	shalt  }
0x5b: {  	_ =	shalt  }
0x5c: {  	_ =	shalt  }
0x5d: {  	_ =	shalt  }
0x5e: {  	_ =	shalt  }
0x5f: {  	_ =	shalt  }
0x60: {  	_ =	shalt  }
0x61: {  	_ =	shalt  }
0x62: {  	_ =	shalt  }
0x63: {  	_ =	shalt  }
0x64: {  	_ =	shalt  }
0x65: {  	_ =	shalt  }
0x66: {  	_ =	shalt  }
0x67: {  	_ =	shalt  }
0x68: {  	_ =	shalt  }
0x69: {  	_ =	shalt  }
0x6a: {  	_ =	shalt  }
0x6b: {  	_ =	shalt  }
0x6c: {  	_ =	shalt  }
0x6d: {  	_ =	shalt  }
0x6e: {  	_ =	shalt  }
0x6f: {  	_ =	shalt  }
0x70: {  	_ =	shalt  }
0x71: {  	_ =	shalt  }
0x72: {  	_ =	shalt  }
0x73: {  	_ =	shalt  }
0x74: {  	_ =	shalt  }
0x75: {  	_ =	shalt  }
0x76: {  	_ =	shalt  }
0x77: {  	_ =	shalt  }
0x78: {  	_ =	shalt  }
0x79: {  	_ =	shalt  }
0x7a: {  	_ =	shalt  }
0x7b: {  	_ =	shalt  }
0x7c: {  	_ =	shalt  }
0x7d: {  	_ =	shalt  }
0x7e: {  	_ =	shalt  }
0x7f: {  	_ =	shalt  }
0x80: {  	_ =	shalt  }
0x81: {  	_ =	shalt  }
0x82: {  	_ =	shalt  }
0x83: {  	_ =	shalt  }
0x84: {  	_ =	shalt  }
0x85: {  	_ =	shalt  }
0x86: {  	_ =	shalt  }
0x87: {  	_ =	shalt  }
.Lfunc_end0:
.L_simem_size_0:
called_computation_lowered:
.L_overlay_start_0:
0x88: {  	s2 =	sld [smem:$0x3FD9]  }
0x89: {  	s3 =	sld [smem:$0x3FFE];
	_ =	sdelay $0x1  }
0x8a: {  	s1 =	srdreg.scid  }
0x8b: {  	s0 =	sand.u32 $0x1, s1  }
0x8c: {  	s17 =	sshll.u32 s0, $0xA;
	s2 =	sadd.s32 s3, s2  }
0x8d: {  	s2 =	sadd.s32 s2, s17  }
0x8e: {  	[smem:$0x3FC3] =	sst s2  }
0x8f: {  	_ = 	snop  }
0x90: {  	s2 =	sld [smem:$0x3FC8];
	(tm) =	ssettm $0x1  }
0x91: {  	s18 =	sld [smem:$0x3FFB];
	_ =	sdelay $0x3  }
0x92: {  	_ =	strace s18  }
0x93: {  	s3 =	sld [smem:$0x3FFC];
	_ =	sdelay $0x3  }
0x94: {  	_ =	strace s3  }
0x95: {  	s3 =	sld [smem:$0x3FFD];
	_ =	sdelay $0x3  }
0x96: {  	_ =	strace s3  }
0x97: {  	_ =	strace $0x8FFFFFFF  }
0x98: {  	s19 =	sld [smem:$0x3FDB];
	_ =	sdelay $0x1  }
0x99: {  	s4 =	simm.s32 $_scs_section_size  }
0x9a: {  	s5 =	simm.s32 $_size__tile_overlayer_lowered;
	s6 =	simm.s32 $_tile_overlayer_lowered  }
0x9b: {  	s22 =	simm.s32 $0x1BFF;
	s21 =	sshll.u32 s6, $0x1;
	s3 =	sadd.s32 s4, s19  }
0x9c: {  	s7 =	simm.s32 $0x0;
	s20 =	sshll.u32 s5, $0x1;
	s5 =	sadd.s32 s21, s3  }
0x9d: {  	[timem:s7], [sflag:s22] =	dma.local [hbm:s5], s20  }
0x9e: {  	_ =	swait.ge [sflag:s22], s20  }
0x9f: {  	s4 =	ssub.s32 $0x0, s20;
	[sflag:s22] =	ssyncset.done $0x0  }
0xa0: {  	[sflag:s22] =	ssyncadd.s32 s4;
	_ =	sdelay $0x1  }
0xa1: {  	s23 =	simm.s32 $0x1B8B  }
0xa2: {  	_ =	swait.ge [sflag:s23], $0x1  }
0xa3: {  	[sflag:s23] =	ssyncset.done $0x0  }
0xa4: {  	s25 =	simm.s32 $0x1B8E;
	s24 =	sld [smem:$0x3FFE];
	[sflag:s23] =	ssyncadd.s32 $0xFFFFFFFF  }
0xa5: {  	s26 =	simm.s32 $execute0_lowered;
	[smem:$0x3FD2] =	sst s25  }
0xa6: {  	s5 =	sshll.u32 s26, $0x1;
	_ =	strace $0x80000046;
	[dreg:$0x1] =	wrdreg $0xFFFFFFFF  }
0xa7: {  	s28 =	simm.s32 $_size_execute0_lowered;
	s3 =	sadd.s32 s3, s5;
	[dreg:$0x0] =	wrdreg $0x0  }
0xa8: {  	s5 =	sshll.u32 s28, $0x1;
	[dreg:$0x2] =	wrdreg s3  }
0xa9: {  	[dreg:$0x3] =	wrdreg s5  }
0xaa: {  	[dreg:$0x4] =	wrdreg $0xC0  }
0xab: {  	_ =	task [dreg:s7], $0x5FFFF  }
0xac: {  	[dreg:$0x1] =	wrdreg $0xFFFFFFFF  }
0xad: {  	[dreg:$0x0] =	wrdreg $0x60  }
0xae: {  	[dreg:$0x2] =	wrdreg s24  }
0xaf: {  	[dreg:$0x3] =	wrdreg s2  }
0xb0: {  	[dreg:$0x4] =	wrdreg $0x9  }
0xb1: {  	_ =	task.clear_ibuf [dreg:s7], $0x5FFFF;
	_ =	strace $0x90000046  }
0xb2: {  	s29 =	simm.s32 $0x9;
	_ =	strace $0x80000048  }
0xb3: {  	_ =	swait.ge [sflag:s29], $0x1  }
0xb4: {  	[sflag:s29] =	ssyncadd.s32 $0xFFFFFFFF  }
0xb5: {  	_ =	strace $0x90000048  }
0xb6: {  	_ =	sfence  }
0xb7: {  	s30 =	sld [smem:$0x0];
	_ =	sdelay $0x2  }
0xb8: {  	s31 =	sshll.u32 s1, $0xD;
	s1 =	sshrl.u32 s1, $0x2  }
0xb9: {  	s3 =	sand.u32 $0x4000, s31;
	s1 =	sadd.s32 s1, s30  }
0xba: {  	s0 =	sor.u32 s3, s0;
	s1 =	sshll.u32 s1, $0x11  }
0xbb: {  	s0 =	sor.u32 s1, s0  }
0xbc: {  	s0 =	sadd.s32 $0x8F2B, s0  }
0xbd: {  	[sflag:s0] =	ssyncadd.remote.s32 $0x1  }
0xbe: {  	_ =	sfence.sel $0xFFFF  }
0xbf: {  	[dreg:$0x0] =	wrdreg $0xFFFFFFFF;
	(pc) =	sbr.abs _section_cstart, $3  }
0xc0: {  	[dreg:$0x1] =	wrdreg $0xFFFFFFFF  }
0xc1: {  	_ =	task.clear_ibuf [dreg:s7], $0x2FFFF;
	_ =	strace $0x9FFFFFFF  }
0xc2: {  	(tm) =	ssettm $0x7FFFFFFF  }
0xc3: {  	_ =	shalt  }
tec
execute0_lowered:
.L_overlay_start_1:
0x0: {  	(tag) =	ssettag $0x1  }
0x1: {  	s5 =	rddreg [dreg:$0x0]  }
0x2: {  	s4 =	rddreg [dreg:$0x1]  }
0x3: {  	s0 =	rddreg [dreg:$0x2];
	s2 =	simm.s32 $0x0  }
0x4: {  	s3 =	srdreg.scid;
	s1 =	stileid.u32;
	s11 =	simm.s32 $0x1  }
0x5: {  	s12 =	simm.s32 $0x0;
	s6 =	sand.u32 $0x1, s3;
	s7 =	sshll.u32 s1, $0x1  }
0x6: {  	[smem:$0x7FF] =	sst s2;
	s3 =	sadd.s32 $0x64000, s5;
	s7 =	sor.u32 s6, s7  }
0x7: {  	_ =	strace $0x80000047;
	s6 =	ssub.s32 $0x2, s6;
	s8 =	sshll.u32 s7, $0x1  }
0x8: {  	s9 =	sshrl.u32 s6, $0x1;
	s10 =	smul.u32 $0x3200, s7;
	s31 =	sshll.u32 s7, $0x6  }
0x9: {  	s8 =	sadd.s32 s8, s5;
	s9 =	ssub.s32 s6, s9;
	s4 =	sadd.s32 s4, s31  }
0xa: {  	s5 =	sadd.s32 s5, s10;
	s6 =	sadd.s32 $0x64200, s8;
	s7 =	smax.u32 s9, $0x1  }
0xb: {  	vm0 =	vmmov $0xff;
	s8 =	simm.s32 $0x19200;
	s9 =	simm.s32 $0x19000;
	s10 =	simm.s32 $0x19600  }
.LBB2_1:
0xc: {  	[tilespmem:s8], [sflag:$0x1] =	stream.linear.gather [hbm4b:s3+s2], $0x400, $0x38;
	[tilespmem:$0x19680] =	vst v63  }
0xd: {  	_ =	swait.ge [sflag:s11], $0x400  }
0xe: {  	[sflag:s11] =	ssyncset.done $0x0  }
0xf: {  	[sflag:s11] =	ssyncadd.s32 $0xFFFFFC00  }
0x10: {  	[tilespmem:s9], [sflag:$0x1] =	stream.linear.gather [hbm4b:s4+s2], $0x200, $0x38;
	[tilespmem:$0x19680] =	vst v63  }
0x11: {  	_ =	swait.ge [sflag:s11], $0x200  }
0x12: {  	[sflag:s11] =	ssyncset.done $0x0  }
0x13: {  	[sflag:s11] =	ssyncadd.s32 $0xFFFFFE00  }
0x14: {  	[tilespmem:s2], [sflag:$0x1] =	stream.linear.gather [hbm4b:s5+s2], $0x19000, $0x38;
	[tilespmem:$0x19680] =	vst v63  }
0x15: {  	_ =	swait.ge [sflag:s11], $0x19000  }
0x16: {  	[sflag:s11] =	ssyncset.done $0x0  }
0x17: {  	s13 =	simm.s32 $0xC0;
	[sflag:s11] =	ssyncadd.s32 $0xFFFE7000  }
0x18: {  	v0 =	vld [tilespmem:s13+$0x90]  }
0x19: {  	v1 =	vld [tilespmem:s13+$0xA0]  }
0x1a: {  	v2 =	vld [tilespmem:s13+$0xB0]  }
0x1b: {  	v3 =	vld [tilespmem:s13+$0x50]  }
0x1c: {  	v4 =	vld [tilespmem:s13+$0x60]  }
0x1d: {  	v5 =	vld [tilespmem:s13+$0x70]  }
0x1e: {  	v6 =	vld [tilespmem:s13+$0x80]  }
0x1f: {  	v7 =	vld [tilespmem:s13+$0x10]  }
0x20: {  	v8 =	vld [tilespmem:s13+$0x20]  }
0x21: {  	v9 =	vld [tilespmem:s13+$0x30]  }
0x22: {  	v10 =	vmov s11;
	v11 =	vld [tilespmem:s13+$0xFFFFFFD0]  }
0x23: {  	v12 =	vld [tilespmem:s13+$0xFFFFFFE0]  }
0x24: {  	s14 =	simm.s32 $0x0;
	v13 =	vld [tilespmem:s13+$0xFFFFFFF0]  }
0x25: {  	v14 =	vmov s14;
	v15 =	vld [tilespmem:s13+$0x0]  }
0x26: {  	v14 =	vand.u32 $0xFFFFFFFE, v14;
	v16 =	vld [tilespmem:s13+$0xFFFFFF90]  }
0x27: {  	v14 =	vbroadcast v14, $0x0;
	v10 =	vld.idx.msk [tilespmem:v10+s9+$0x0], $0xffff  }
0x28: {  	v17 =	vld [tilespmem:s13+$0xFFFFFFA0]  }
0x29: {  	v18 =	vld [tilespmem:s13+$0xFFFFFFB0]  }
0x2a: {  	v19 =	vld [tilespmem:s13+$0xFFFFFF50]  }
0x2b: {  	v20 =	vld [tilespmem:s13+$0xFFFFFF60]  }
0x2c: {  	v21 =	vld [tilespmem:s13+$0xFFFFFF70]  }
0x2d: {  	v14 =	vld.idx.msk [tilespmem:v14+s9+$0x0], $0xffff;
	v10 =	vshll.u32 v10, $0x9  }
0x2e: {  	v22 =	vld [tilespmem:s13+$0xFFFFFF80];
	v0 =	vadd.s32 v10, v0  }
0x2f: {  	s29 =	sand.u32 $0x1FFF0, s2;
	v23 =	vld [tilespmem:s13+$0xFFFFFF40];
	v1 =	vadd.s32 v10, v1  }
0x30: {  	v24 =	vld [tilespmem:s29+$0x180];
	v3 =	vadd.s32 v10, v3  }
0x31: {  	v25 =	vld [tilespmem:s29+$0x100];
	v4 =	vadd.s32 v10, v4  }
0x32: {  	v26 =	vld [tilespmem:s29+$0x80];
	v7 =	vadd.s32 v10, v7  }
0x33: {  	v8 =	vadd.s32 v10, v8;
	v27 =	vld.idx.msk [tilespmem:v0+s8+$0x0], $0xffff  }
0x34: {  	v9 =	vadd.s32 v10, v9;
	v28 =	vld.idx.msk [tilespmem:v1+s8+$0x0], $0xffff  }
0x35: {  	v14 =	vshll.u32 v14, $0x9;
	v5 =	vadd.s32 v10, v5;
	v3 =	vld.idx.msk [tilespmem:v3+s8+$0x0], $0xffff  }
0x36: {  	v0 =	vadd.s32 v14, v11;
	v4 =	vld.idx.msk [tilespmem:v4+s8+$0x0], $0xffff  }
0x37: {  	v1 =	vadd.s32 v14, v12;
	v7 =	vld.idx.msk [tilespmem:v7+s8+$0x0], $0xffff  }
0x38: {  	v11 =	vadd.s32 v14, v16;
	v16 =	vadd.s32 v14, v19;
	v19 =	vld.idx.msk [tilespmem:v8+s8+$0x0], $0xffff  }
0x39: {  	v12 =	vadd.s32 v14, v17;
	v31 =	vld.idx.msk [tilespmem:v9+s8+$0x0], $0xffff  }
0x3a: {  	v5 =	vld.idx.msk [tilespmem:v5+s8+$0x0], $0xffff  }
0x3b: {  	v8 =	vadd.s32 v14, v20;
	v20 =	vld.idx.msk [tilespmem:v0+s8+$0x0], $0xffff  }
0x3c: {  	v0 =	vadd.s32 v14, v23;
	v23 =	vld.idx.msk [tilespmem:v1+s8+$0x0], $0xffff  }
0x3d: {  	v1 =	vadd.s32 v14, v21;
	v17 =	vld.idx.msk [tilespmem:v11+s8+$0x0], $0xffff  }
0x3e: {  	v11 =	vadd.s32 v14, v22;
	v21 =	vld.idx.msk [tilespmem:v12+s8+$0x0], $0xffff  }
0x3f: {  	v16 =	vld.idx.msk [tilespmem:v16+s8+$0x0], $0xffff;
	v12 =	vadd.s32 v14, v18  }
0x40: {  	v8 =	vld.idx.msk [tilespmem:v8+s8+$0x0], $0xffff;
	v18 =	vadd.s32 v14, v26  }
0x41: {  	v59 =	vld.idx.msk [tilespmem:v0+s8+$0x0], $0xffff  }
0x42: {  	v22 =	vsel vm0, v14, v10;
	v29 =	vld.idx.msk [tilespmem:v1+s8+$0x0], $0xffff  }
0x43: {  	v1 =	vadd.s32 v22, v15;
	v15 =	vld.idx.msk [tilespmem:v11+s8+$0x0], $0xffff  }
0x44: {  	v0 =	vadd.s32 v14, v13;
	v22 =	vld.idx.msk [tilespmem:v12+s8+$0x0], $0xffff  }
0x45: {  	s13 =	simm.s32 $0x250;
	v18 =	vld.idx.msk [tilespmem:v18+s8+$0x0], $0xffff  }
0x46: {  	v11 =	vadd.s32 v10, v25;
	v13 =	vld [tilespmem:s13+$0x50]  }
0x47: {  	v12 =	vld [tilespmem:s13+$0x60]  }
0x48: {  	v14 =	vld [tilespmem:s13+$0x10]  }
0x49: {  	v60 =	vld.idx.msk [tilespmem:v0+s8+$0x0], $0xffff  }
0x4a: {  	v30 =	vld.idx.msk [tilespmem:v1+s8+$0x0], $0xffff  }
0x4b: {  	v61 =	vld.idx.msk [tilespmem:v11+s8+$0x0], $0xffff  }
0x4c: {  	v0 =	vadd.s32 v10, v6;
	v1 =	vadd.s32 v10, v2;
	v11 =	vld [tilespmem:s13+$0x90];
	v6 =	vimm.f32 $0.0e+00  }
0x4d: {  	v2 =	vadd.s32 v10, v24;
	v10 =	vld [tilespmem:s13+$0xA0];
	v9 =	vadd.f32 v59, v6;
	v16 =	vadd.f32 v16, v6  }
0x4e: {  	v8 =	vadd.f32 v8, v6;
	v62 =	vadd.f32 v29, v6;
	v6 =	vld [tilespmem:s13+$0x30]  }
0x4f: {  	v9 =	vadd.f32 v15, v9;
	v15 =	vld [tilespmem:s13+$0x20]  }
0x50: {  	v16 =	vadd.f32 v17, v16;
	v17 =	vld [tilespmem:s13+$0xFFFFFFD0]  }
0x51: {  	v32 =	vld.idx.msk [tilespmem:v0+s8+$0x0], $0xffff  }
0x52: {  	v33 =	vld.idx.msk [tilespmem:v1+s8+$0x0], $0xffff  }
0x53: {  	v8 =	vadd.f32 v21, v8;
	v21 =	vadd.f32 v22, v62;
	v34 =	vld.idx.msk [tilespmem:v2+s8+$0x0], $0xffff  }
0x54: {  	v0 =	vld [tilespmem:s13+$0xB0];
	v9 =	vadd.f32 v18, v9;
	v16 =	vadd.f32 v20, v16  }
0x55: {  	s30 =	simm.s32 $0x3;
	v1 =	vld [tilespmem:s13+$0x70];
	v20 =	vadd.f32 v23, v8;
	v21 =	vadd.f32 v60, v21  }
0x56: {  	v22 =	vmov s30;
	v2 =	vld [tilespmem:s13+$0x80];
	v23 =	vadd.f32 v30, v9;
	v7 =	vadd.f32 v7, v16  }
0x57: {  	v18 =	vld [tilespmem:s13+$0xFFFFFFE0];
	v16 =	vadd.f32 v19, v20;
	v20 =	vadd.f32 v31, v21  }
0x58: {  	s31 =	simm.s32 $0x2;
	v8 =	vld [tilespmem:s13+$0xFFFFFFF0];
	v21 =	vadd.f32 v61, v23;
	v3 =	vadd.f32 v3, v7  }
0x59: {  	v9 =	vld [tilespmem:s13+$0x0];
	v7 =	vadd.f32 v4, v16;
	v23 =	vadd.f32 v5, v20;
	v16 =	vmov s31  }
0x5a: {  	v19 =	vld [tilespmem:s13+$0xFFFFFF90];
	v63 =	vand.u32 $0xFFFFFFFE, v16  }
0x5b: {  	v22 =	vld.idx.msk [tilespmem:v22+s9+$0x0], $0xffff;
	v4 =	vadd.f32 v27, v3;
	v3 =	vadd.f32 v33, v23;
	v23 =	vbroadcast v63, $0x0  }
0x5c: {  	v20 =	vld [tilespmem:s13+$0xFFFFFFA0];
	v21 =	vadd.f32 v32, v21  }
0x5d: {  	v16 =	vld [tilespmem:s13+$0xFFFFFFB0]  }
0x5e: {  	s15 =	simm.s32 $0x5;
	s14 =	simm.s32 $0x0;
	v5 =	vadd.f32 v28, v7;
	v7 =	vadd.f32 v34, v21;
	v21 =	vld [tilespmem:s13+$0xFFFFFF50]  }
.LBB2_2:
0x5f: {  	p0 =	sne.s32 s15, $0x1FF;
	v24 =	vld [tilespmem:s13+$0xFFFFFF60]  }
0x60: {  	v25 =	vld [tilespmem:s13+$0xFFFFFF70]  }
0x61: {  	v22 =	vshll.u32 v22, $0x9;
	v23 =	vld.idx.msk [tilespmem:v23+s9+$0x0], $0xffff  }
0x62: {  	s14 =	sadd.s32 $0x190, s14;
	v11 =	vadd.s32 v22, v11;
	v26 =	vld [tilespmem:s13+$0xFFFFFF80]  }
0x63: {  	s16 =	sand.u32 $0x1FFF0, s14;
	v10 =	vadd.s32 v22, v10;
	v27 =	vld [tilespmem:s13+$0xFFFFFF40]  }
0x64: {  	v13 =	vadd.s32 v22, v13;
	v28 =	vld [tilespmem:s16+$0x180]  }
0x65: {  	v12 =	vadd.s32 v22, v12;
	v29 =	vld [tilespmem:s16+$0x100]  }
0x66: {  	v14 =	vadd.s32 v22, v14;
	v30 =	vld [tilespmem:s16+$0x80]  }
0x67: {  	v15 =	vadd.s32 v22, v15;
	v23 =	vshll.u32 v23, $0x9;
	v31 =	vld.idx.msk [tilespmem:v11+s8+$0x0], $0xffff  }
0x68: {  	v11 =	vadd.s32 v23, v17;
	v17 =	vld.idx.msk [tilespmem:v10+s8+$0x0], $0xffff  }
0x69: {  	v10 =	vadd.s32 v23, v18;
	v13 =	vld.idx.msk [tilespmem:v13+s8+$0x0], $0xffff  }
0x6a: {  	v18 =	vadd.s32 v23, v19;
	v12 =	vld.idx.msk [tilespmem:v12+s8+$0x0], $0xffff  }
0x6b: {  	v19 =	vadd.s32 v23, v20;
	v14 =	vld.idx.msk [tilespmem:v14+s8+$0x0], $0xffff  }
0x6c: {  	v20 =	vadd.s32 v23, v21;
	v15 =	vld.idx.msk [tilespmem:v15+s8+$0x0], $0xffff  }
0x6d: {  	v21 =	vadd.s32 v23, v24;
	v11 =	vld.idx.msk [tilespmem:v11+s8+$0x0], $0xffff  }
0x6e: {  	v24 =	vadd.s32 v23, v27;
	v10 =	vld.idx.msk [tilespmem:v10+s8+$0x0], $0xffff  }
0x6f: {  	v25 =	vadd.s32 v23, v25;
	v18 =	vld.idx.msk [tilespmem:v18+s8+$0x0], $0xffff  }
0x70: {  	v26 =	vadd.s32 v23, v26;
	v19 =	vld.idx.msk [tilespmem:v19+s8+$0x0], $0xffff  }
0x71: {  	v16 =	vadd.s32 v23, v16;
	v20 =	vld.idx.msk [tilespmem:v20+s8+$0x0], $0xffff  }
0x72: {  	v27 =	vadd.s32 v23, v30;
	v21 =	vld.idx.msk [tilespmem:v21+s8+$0x0], $0xffff  }
0x73: {  	v8 =	vadd.s32 v23, v8;
	v30 =	vsel vm0, v23, v22;
	v24 =	vld.idx.msk [tilespmem:v24+s8+$0x0], $0xffff  }
0x74: {  	v9 =	vadd.s32 v30, v9;
	v23 =	vld.idx.msk [tilespmem:v25+s8+$0x0], $0xffff  }
0x75: {  	v6 =	vadd.s32 v22, v6;
	v25 =	vld.idx.msk [tilespmem:v26+s8+$0x0], $0xffff  }
0x76: {  	v26 =	vadd.s32 v22, v29;
	v16 =	vld.idx.msk [tilespmem:v16+s8+$0x0], $0xffff  }
0x77: {  	v1 =	vadd.s32 v22, v1;
	v27 =	vld.idx.msk [tilespmem:v27+s8+$0x0], $0xffff  }
0x78: {  	v2 =	vadd.s32 v22, v2;
	v8 =	vld.idx.msk [tilespmem:v8+s8+$0x0], $0xffff  }
0x79: {  	v0 =	vadd.s32 v22, v0;
	v7 =	vadd.f32 v24, v7;
	v9 =	vld.idx.msk [tilespmem:v9+s8+$0x0], $0xffff  }
0x7a: {  	v4 =	vadd.f32 v20, v4;
	v20 =	vadd.s32 v22, v28;
	v5 =	vadd.f32 v21, v5;
	v6 =	vld.idx.msk [tilespmem:v6+s8+$0x0], $0xffff  }
0x7b: {  	v3 =	vadd.f32 v23, v3;
	v7 =	vadd.f32 v25, v7;
	v21 =	vld.idx.msk [tilespmem:v26+s8+$0x0], $0xffff  }
0x7c: {  	v4 =	vadd.f32 v18, v4;
	v5 =	vadd.f32 v19, v5;
	v1 =	vld.idx.msk [tilespmem:v1+s8+$0x0], $0xffff  }
0x7d: {  	v3 =	vadd.f32 v16, v3;
	v7 =	vadd.f32 v27, v7;
	v2 =	vld.idx.msk [tilespmem:v2+s8+$0x0], $0xffff  }
0x7e: {  	v4 =	vadd.f32 v11, v4;
	v5 =	vadd.f32 v10, v5;
	v16 =	vld.idx.msk [tilespmem:v0+s8+$0x0], $0xffff  }
0x7f: {  	s13 =	sadd.s32 $0x190, s13;
	v0 =	vadd.f32 v8, v3;
	v3 =	vadd.f32 v9, v7;
	v7 =	vld.idx.msk [tilespmem:v20+s8+$0x0], $0xffff  }
0x80: {  	v4 =	vadd.f32 v14, v4;
	v5 =	vadd.f32 v15, v5;
	v11 =	vld [tilespmem:s13+$0x90]  }
0x81: {  	v6 =	vadd.f32 v6, v0;
	v3 =	vadd.f32 v21, v3;
	v10 =	vld [tilespmem:s13+$0xA0]  }
0x82: {  	v4 =	vadd.f32 v13, v4;
	v5 =	vadd.f32 v12, v5;
	v0 =	vld [tilespmem:s13+$0xB0]  }
0x83: {  	v6 =	vadd.f32 v1, v6;
	v2 =	vadd.f32 v2, v3;
	v13 =	vld [tilespmem:s13+$0x50]  }
0x84: {  	v4 =	vadd.f32 v31, v4;
	v5 =	vadd.f32 v17, v5;
	v12 =	vld [tilespmem:s13+$0x60]  }
0x85: {  	v3 =	vadd.f32 v16, v6;
	v7 =	vadd.f32 v7, v2;
	v1 =	vld [tilespmem:s13+$0x70]  }
0x86: {  	v2 =	vld [tilespmem:s13+$0x80]  }
0x87: {  	v14 =	vld [tilespmem:s13+$0x10]  }
0x88: {  	v15 =	vld [tilespmem:s13+$0x20]  }
0x89: {  	v6 =	vld [tilespmem:s13+$0x30]  }
0x8a: {  	v16 =	vmov s15;
	v17 =	vld [tilespmem:s13+$0xFFFFFFD0]  }
0x8b: {  	v18 =	vld [tilespmem:s13+$0xFFFFFFE0]  }
0x8c: {  	s16 =	sadd.s32 $0xFFFFFFFF, s15;
	v8 =	vld [tilespmem:s13+$0xFFFFFFF0]  }
0x8d: {  	v19 =	vmov s16;
	v9 =	vld [tilespmem:s13+$0x0]  }
.Ltmp0:
0x8e: {  	v20 =	vand.u32 $0xFFFFFFFE, v19;
	v19 =	vld [tilespmem:s13+$0xFFFFFF90];
	(pc) =	sbr.rel @p0 .LBB2_2-.Ltmp0, $4  }
0x8f: {  	v23 =	vbroadcast v20, $0x0;
	v22 =	vld.idx.msk [tilespmem:v16+s9+$0x0], $0xffff  }
0x90: {  	v20 =	vld [tilespmem:s13+$0xFFFFFFA0]  }
0x91: {  	v16 =	vld [tilespmem:s13+$0xFFFFFFB0]  }
0x92: {  	s15 =	sadd.s32 $0x2, s15;
	v21 =	vld [tilespmem:s13+$0xFFFFFF50]  }
0x93: {  	_ =	sdelay $0x1  }
0x94: {  	v24 =	vld [tilespmem:s13+$0xFFFFFF60]  }
0x95: {  	v25 =	vld [tilespmem:s13+$0xFFFFFF70]  }
0x96: {  	v23 =	vld.idx.msk [tilespmem:v23+s9+$0x0], $0xffff;
	v22 =	vshll.u32 v22, $0x9  }
0x97: {  	v26 =	vld [tilespmem:s13+$0xFFFFFF80];
	s14 =	sadd.s32 $0x190, s14;
	v11 =	vadd.s32 v22, v11  }
0x98: {  	v27 =	vld [tilespmem:s13+$0xFFFFFF40];
	s31 =	sand.u32 $0x1FFF0, s14;
	v10 =	vadd.s32 v22, v10  }
0x99: {  	v13 =	vadd.s32 v22, v13;
	v28 =	vld [tilespmem:s31+$0x180]  }
0x9a: {  	v29 =	vld [tilespmem:s31+$0x100];
	v12 =	vadd.s32 v22, v12  }
0x9b: {  	v30 =	vld [tilespmem:s31+$0x80];
	v14 =	vadd.s32 v22, v14  }
0x9c: {  	v15 =	vadd.s32 v22, v15;
	v23 =	vshll.u32 v23, $0x9;
	v11 =	vld.idx.msk [tilespmem:v11+s8+$0x0], $0xffff  }
0x9d: {  	v17 =	vadd.s32 v23, v17;
	v10 =	vld.idx.msk [tilespmem:v10+s8+$0x0], $0xffff  }
0x9e: {  	v18 =	vadd.s32 v23, v18;
	v13 =	vld.idx.msk [tilespmem:v13+s8+$0x0], $0xffff  }
0x9f: {  	v19 =	vadd.s32 v23, v19;
	v12 =	vld.idx.msk [tilespmem:v12+s8+$0x0], $0xffff  }
0xa0: {  	v20 =	vadd.s32 v23, v20;
	v14 =	vld.idx.msk [tilespmem:v14+s8+$0x0], $0xffff  }
0xa1: {  	v21 =	vadd.s32 v23, v21;
	v15 =	vld.idx.msk [tilespmem:v15+s8+$0x0], $0xffff  }
0xa2: {  	v24 =	vadd.s32 v23, v24;
	v17 =	vld.idx.msk [tilespmem:v17+s8+$0x0], $0xffff  }
0xa3: {  	v27 =	vadd.s32 v23, v27;
	v18 =	vld.idx.msk [tilespmem:v18+s8+$0x0], $0xffff  }
0xa4: {  	v25 =	vadd.s32 v23, v25;
	v19 =	vld.idx.msk [tilespmem:v19+s8+$0x0], $0xffff  }
0xa5: {  	v26 =	vadd.s32 v23, v26;
	v20 =	vld.idx.msk [tilespmem:v20+s8+$0x0], $0xffff  }
0xa6: {  	v16 =	vadd.s32 v23, v16;
	v21 =	vld.idx.msk [tilespmem:v21+s8+$0x0], $0xffff  }
0xa7: {  	v30 =	vadd.s32 v23, v30;
	v24 =	vld.idx.msk [tilespmem:v24+s8+$0x0], $0xffff  }
0xa8: {  	v31 =	vsel vm0, v23, v22;
	v8 =	vadd.s32 v23, v8;
	v27 =	vld.idx.msk [tilespmem:v27+s8+$0x0], $0xffff  }
0xa9: {  	v9 =	vadd.s32 v31, v9;
	v53 =	vld.idx.msk [tilespmem:v25+s8+$0x0], $0xffff  }
0xaa: {  	v6 =	vadd.s32 v22, v6;
	v54 =	vld.idx.msk [tilespmem:v26+s8+$0x0], $0xffff  }
0xab: {  	v55 =	vadd.s32 v22, v29;
	v16 =	vld.idx.msk [tilespmem:v16+s8+$0x0], $0xffff  }
0xac: {  	v1 =	vadd.s32 v22, v1;
	v56 =	vld.idx.msk [tilespmem:v30+s8+$0x0], $0xffff  }
0xad: {  	v2 =	vadd.s32 v22, v2;
	v8 =	vld.idx.msk [tilespmem:v8+s8+$0x0], $0xffff;
	v7 =	vadd.f32 v27, v7  }
0xae: {  	v0 =	vadd.s32 v22, v0;
	v9 =	vld.idx.msk [tilespmem:v9+s8+$0x0], $0xffff;
	v4 =	vadd.f32 v21, v4;
	v5 =	vadd.f32 v24, v5  }
0xaf: {  	v6 =	vld.idx.msk [tilespmem:v6+s8+$0x0], $0xffff;
	v57 =	vadd.s32 v22, v28;
	v3 =	vadd.f32 v53, v3;
	v7 =	vadd.f32 v54, v7  }
0xb0: {  	v58 =	vld.idx.msk [tilespmem:v55+s8+$0x0], $0xffff;
	v4 =	vadd.f32 v19, v4;
	v5 =	vadd.f32 v20, v5  }
0xb1: {  	v1 =	vld.idx.msk [tilespmem:v1+s8+$0x0], $0xffff;
	v3 =	vadd.f32 v16, v3;
	v7 =	vadd.f32 v56, v7  }
0xb2: {  	v2 =	vld.idx.msk [tilespmem:v2+s8+$0x0], $0xffff;
	v4 =	vadd.f32 v17, v4;
	v5 =	vadd.f32 v18, v5  }
0xb3: {  	v0 =	vld.idx.msk [tilespmem:v0+s8+$0x0], $0xffff;
	v3 =	vadd.f32 v8, v3;
	v7 =	vadd.f32 v9, v7  }
0xb4: {  	v59 =	vld.idx.msk [tilespmem:v57+s8+$0x0], $0xffff;
	v4 =	vadd.f32 v14, v4;
	v5 =	vadd.f32 v15, v5  }
0xb5: {  	v3 =	vadd.f32 v6, v3;
	v60 =	vadd.f32 v58, v7  }
0xb6: {  	v4 =	vadd.f32 v13, v4;
	v5 =	vadd.f32 v12, v5  }
0xb7: {  	v1 =	vadd.f32 v1, v3;
	v2 =	vadd.f32 v2, v60  }
0xb8: {  	v61 =	vadd.f32 v11, v4;
	v62 =	vadd.f32 v10, v5  }
0xb9: {  	v0 =	vadd.f32 v0, v1;
	v63 =	vadd.f32 v59, v2;
	_ =	sdelay $0x1  }
0xba: {  	v0 =	vadd.f32 v0, v62;
	v1 =	vadd.f32 v61, v63;
	_ =	sdelay $0x1  }
0xbb: {  	s12 =	sadd.s32 $0x1, s12;
	v0 =	vadd.f32 v0, v1  }
0xbc: {  	p0 =	sne.s32 s12, s7  }
.Ltmp1:
0xbd: {  	[tilespmem:$0x19600] =	vst v0;
	(pc) =	sbr.rel @p0 .LBB2_1-.Ltmp1, $4  }
0xbe: {  	[hbm4b:s6+s2] =	stream.linear.scatter [tilespmem:s10], [sflag:$0x1], $0x10, $0x38;
	[tilespmem:$0x19680] =	vst v63  }
0xbf: {  	_ =	swait.ge [sflag:s11], $0x10  }
0xc0: {  	[sflag:s11] =	ssyncset.done $0x0  }
0xc1: {  	[sflag:s11] =	ssyncadd.s32 $0xFFFFFFF0  }
0xc2: {  	_ =	sfence.sel $0x180000  }
0xc3: {  	[bflag:$0x0] =	sbarrier.arrive $0xFFFF  }
0xc4: {  	p0 =	sne.s32 s1, $0x0;
	_ =	strace $0x90000047  }
0xc5: {  	s0 =	sadd.s32 @!p0 $0x100000, s0;
	[bflag:$0x2] =	sbarrier.arrive $0xFFFF  }
0xc6: {  	[sflag:s0] =	ssyncadd.tile.s32 @!p0 $0x1;
	_ =	shalt  }
.Lfunc_end2:
_tile_overlayer_lowered:
.L_overlay_start_2:
0xc7: {  	(tag) =	ssettag $0x2  }
0xc8: {  	s0 =	rddreg [dreg:$0x0];
	s2 =	stileid.u32  }
0xc9: {  	s1 =	rddreg [dreg:$0x1];
	p0 =	sne.s32 s2, $0x0  }
0xca: {  	s3 =	rddreg [dreg:$0x2];
	[bflag:$0x3] =	sbarrier.arrive $0xFFFF;
	s2 =	simm.s32 @!p0 $0x1C01  }
0xcb: {  	[timem:s3], [sflag:s2] =	dma.local @!p0 [hbm:s0], s1  }
0xcc: {  	s0 =	simm.s32 @!p0 $0x1  }
0xcd: {  	_ =	swait.ge @!p0 [sflag:s0], s1  }
0xce: {  	s1 =	ssub.s32 @!p0 $0x0, s1;
	[sflag:s0] =	ssyncset.done @!p0 $0x0  }
0xcf: {  	[sflag:s0] =	ssyncadd.s32 @!p0 s1  }
0xd0: {  	[bflag:$0x3] =	sbarrier.arrive $0xFFFF  }
0xd1: {  	_ =	shalt  }

</sc_bundles>
